<compile_context>
chip_gen: v7x
topology: tpu7x:2x2x1
jax: 0.10.2.dev20260603
libtpu: 0.0.44.dev20260713+nightly
codegen_flags: <defaults>
</compile_context>

<pallas_src>
import functools

import jax
import jax.numpy as jnp
from jax import lax
from jax.experimental import pallas as pl
from jax.experimental.pallas import tpu as pltpu
from jax.experimental.pallas import tpu_sc as plsc

N_NODES = 10000
N_EDGES = 320000
DIM = 128
NUM_WORKERS = 32
CHUNK = 10112
LANES = 16


@functools.cache
def _edge_flags_kernel():
    mesh = plsc.VectorSubcoreMesh(core_axis_name="c", subcore_axis_name="s")

    @functools.partial(
        pl.kernel,
        out_type=jax.ShapeDtypeStruct((NUM_WORKERS, N_NODES), jnp.float32),
        mesh=mesh,
        scratch_types=[
            pltpu.VMEM((2, CHUNK), jnp.int32),
            pltpu.VMEM((N_NODES,), jnp.float32),
            pltpu.SemaphoreType.DMA,
            pltpu.SemaphoreType.DMA,
        ],
        compiler_params=pltpu.CompilerParams(needs_layout_passes=False),
    )
    def _edge_flags(ei_hbm, out_hbm, idx_v, flag_v, sem0, sem1):
        wid = lax.axis_index("s") * 2 + lax.axis_index("c")
        start = jnp.minimum(wid * CHUNK, N_EDGES - CHUNK)
        half0 = 5120
        half1 = CHUNK - half0
        cp0 = pltpu.async_copy(ei_hbm.at[:, pl.ds(start, half0)],
                               idx_v.at[:, pl.ds(0, half0)], sem0)
        cp1 = pltpu.async_copy(ei_hbm.at[:, pl.ds(start + half0, half1)],
                               idx_v.at[:, pl.ds(half0, half1)], sem1)

        zeros = jnp.zeros((LANES,), jnp.float32)
        zunroll = 5

        def zero_body(i, carry):
            for u in range(zunroll):
                flag_v[pl.ds((i * zunroll + u) * LANES, LANES)] = zeros
            return carry

        lax.fori_loop(0, N_NODES // LANES // zunroll, zero_body, 0)

        ones = jnp.ones((LANES,), jnp.float32)
        sunroll = 4

        def make_scatter(base):
            def scatter_body(i, carry):
                for u in range(sunroll):
                    idx = idx_v[1, pl.ds(base + (i * sunroll + u) * LANES,
                                         LANES)]
                    plsc.store_scatter(flag_v, [idx], ones)
                return carry
            return scatter_body

        cp0.wait()
        lax.fori_loop(0, half0 // LANES // sunroll, make_scatter(0), 0)
        cp1.wait()
        lax.fori_loop(0, half1 // LANES // sunroll, make_scatter(half0), 0)

        pltpu.sync_copy(flag_v, out_hbm.at[wid])

    return _edge_flags


def _tc_body(x_ref, wv_ref, wo_ref, bo_ref, flags_ref, out_ref):
    deg = jnp.sum(flags_ref[...], axis=0)
    mask = (deg > 0.0).astype(jnp.float32)[:, None]
    xm = x_ref[...] * mask
    v = lax.dot_general(xm, wv_ref[...], (((1,), (1,)), ((), ())),
                        preferred_element_type=jnp.float32)
    out = lax.dot_general(v, wo_ref[...], (((1,), (1,)), ((), ())),
                          preferred_element_type=jnp.float32)
    out_ref[...] = out + bo_ref[...]


_tc_apply = pl.pallas_call(
    _tc_body,
    out_shape=jax.ShapeDtypeStruct((N_NODES, DIM), jnp.float32),
)


def kernel(x, edge_index, edge_attr, Wq, Wk, Wv, We, Wo, bo):
    flags = _edge_flags_kernel()(edge_index)
    return _tc_apply(x, Wv, Wo, bo.reshape(1, DIM), flags)

# --- scband reference (transcript-rebuilt; emitter-appended) ---
"""Pipeline reference for scband-edge-attention-layer-70789650972913 (READ-ONLY COPY).

The authoritative reference and input builder live on the scoring server;
editing this copy changes nothing except your own understanding.
"""

import jax, jax.numpy as jnp
import numpy as np

N = 10000
E = 320000
D = 128
F = 16
H = 8
HD = D // H


def setup_inputs(seed: int = 0) -> dict:
    key = jax.random.key(seed)
    ks = jax.random.split(key, 9)
    x = jax.random.normal(ks[0], (N, D), dtype=jnp.float32)
    edge_index = jax.random.randint(ks[1], (2, E), 0, N, dtype=jnp.int32)
    edge_attr = jax.random.normal(ks[2], (E, F), dtype=jnp.float32)
    s = 1.0 / np.sqrt(D)
    Wq = jax.random.uniform(ks[3], (D, D), dtype=jnp.float32, minval=-s, maxval=s)
    Wk = jax.random.uniform(ks[4], (D, D), dtype=jnp.float32, minval=-s, maxval=s)
    Wv = jax.random.uniform(ks[5], (D, D), dtype=jnp.float32, minval=-s, maxval=s)
    se = 1.0 / np.sqrt(F)
    We = jax.random.uniform(ks[6], (H, F), dtype=jnp.float32, minval=-se, maxval=se)
    Wo = jax.random.uniform(ks[7], (D, D), dtype=jnp.float32, minval=-s, maxval=s)
    bo = jax.random.uniform(ks[8], (D,), dtype=jnp.float32, minval=-s, maxval=s)
    return {"x": x, "edge_index": edge_index, "edge_attr": edge_attr,
            "Wq": Wq, "Wk": Wk, "Wv": Wv, "We": We, "Wo": Wo, "bo": bo}


def reference(x, edge_index, edge_attr, Wq, Wk, Wv, We, Wo, bo):
    n = x.shape[0]
    e = edge_index.shape[1]
    Q = (x @ Wq.T).reshape(n, H, HD)
    K = (x @ Wk.T).reshape(n, H, HD)
    V = (x @ Wv.T).reshape(n, H, HD)
    src = edge_index[0]
    tgt = edge_index[1]
    Q_src = Q[src]
    K_tgt = K[tgt]
    V_tgt = V[tgt]
    attn_score = jnp.sum(Q_src * K_tgt, axis=-1) / (HD ** 0.5)  # (E, H)
    edge_bias = edge_attr @ We.T  # (E, H)
    attn_score = attn_score + edge_bias
    # scatter softmax per tgt node, per head
    max_per_tgt = jax.ops.segment_max(attn_score, tgt, num_segments=n)  # (N, H)
    max_per_tgt = jnp.where(jnp.isneginf(max_per_tgt), 0.0, max_per_tgt)
    exp_scores = jnp.exp(attn_score - max_per_tgt[tgt])
    sum_per_tgt = jax.ops.segment_sum(exp_scores, tgt, num_segments=n)  # (N, H)
    sum_per_tgt = jnp.where(sum_per_tgt == 0, 1.0, sum_per_tgt)
    attn = exp_scores / sum_per_tgt[tgt]  # (E, H)
    out_edge = (attn[..., None] * V_tgt).reshape(e, D)
    out = jnp.zeros((n, D), dtype=x.dtype).at[tgt].add(out_edge)
    out = out @ Wo.T + bo
    return out

if __name__ == "__main__":
    import jax
    _d = setup_inputs()
    print(jax.jit(kernel)(*tuple(_d.values())))

</pallas_src>

<mosaic_0001>
#map = affine_map<(d0, d1) -> (0, 0)>
module attributes {stable_mosaic.version = 14 : i64} {
  func.func @_edge_flags(%arg0: i32, %arg1: i32, %arg2: memref<2x320000xi32, #tpu.memory_space<hbm>>, %arg3: memref<32x10000xf32, #tpu.memory_space<hbm>>, %arg4: memref<2x10112xi32, #tpu.memory_space<vmem>>, %arg5: memref<10000xf32, #tpu.memory_space<vmem>>, %arg6: memref<!tpu.dma_semaphore, #tpu.memory_space<semaphore_mem>>, %arg7: memref<!tpu.dma_semaphore, #tpu.memory_space<semaphore_mem>>) attributes {dimension_semantics = [#tpu.dimension_semantics<core_parallel>, #tpu.dimension_semantics<subcore_parallel>], iteration_bounds = array<i64: 2, 16>, scalar_prefetch = 0 : i64, scratch_operands = 4 : i64, tpu.core_type = #tpu.core_type<sc_vector_subcore>, window_params = [{transform_indices = #map}, {transform_indices = #map}]} {
    %mul3A = arith.constant 2 : i32
    %mul3A_0 = arith.muli %arg1, %mul3A : i32
    %add3A = arith.addi %mul3A_0, %arg0 : i32
    %mul3A_1 = arith.constant 10112 : i32
    %mul3A_2 = arith.muli %add3A, %mul3A_1 : i32
    %min3A = arith.constant 309888 : i32
    %min3A_3 = arith.minsi %mul3A_2, %min3A : i32
    %dma_start3A = arith.constant 0 : i32
    %dma_start3A_4 = arith.constant 0 : i32
    %dma_start3A_5 = tpu.memref_slice %arg4[%dma_start3A, %dma_start3A_4] : memref<2x10112xi32, #tpu.memory_space<vmem>> -> memref<2x5120xi32, #tpu.memory_space<vmem>>
    %dma_start3A_6 = arith.constant 0 : i32
    %dma_start3A_7 = tpu.memref_slice %arg2[%dma_start3A_6, %min3A_3] : memref<2x320000xi32, #tpu.memory_space<hbm>> -> memref<2x5120xi32, #tpu.memory_space<hbm>>
    %dma_start3A_8 = arith.constant 0 : i32
    %dma_start3A_9 = arith.constant 0 : i32
    %dma_start3A_10 = tpu.memref_slice %arg4[%dma_start3A_8, %dma_start3A_9] : memref<2x10112xi32, #tpu.memory_space<vmem>> -> memref<2x5120xi32, #tpu.memory_space<vmem>>
    %dma_start3A_11 = arith.constant 0 : i32
    %dma_start3A_12 = tpu.memref_slice %arg2[%dma_start3A_11, %min3A_3] : memref<2x320000xi32, #tpu.memory_space<hbm>> -> memref<2x5120xi32, #tpu.memory_space<hbm>>
    tpu.enqueue_dma source(%dma_start3A_12 : memref<2x5120xi32, #tpu.memory_space<hbm>>) target(%dma_start3A_10 : memref<2x5120xi32, #tpu.memory_space<vmem>>) target_semaphore(%arg6 : memref<!tpu.dma_semaphore, #tpu.memory_space<semaphore_mem>>)
    %add3A_13 = arith.constant 5120 : i32
    %add3A_14 = arith.addi %min3A_3, %add3A_13 : i32
    %dma_start3A_15 = arith.constant 0 : i32
    %dma_start3A_16 = arith.constant 5120 : i32
    %dma_start3A_17 = tpu.memref_slice %arg4[%dma_start3A_15, %dma_start3A_16] : memref<2x10112xi32, #tpu.memory_space<vmem>> -> memref<2x4992xi32, #tpu.memory_space<vmem>>
    %dma_start3A_18 = arith.constant 0 : i32
    %dma_start3A_19 = tpu.memref_slice %arg2[%dma_start3A_18, %add3A_14] : memref<2x320000xi32, #tpu.memory_space<hbm>> -> memref<2x4992xi32, #tpu.memory_space<hbm>>
    %dma_start3A_20 = arith.constant 0 : i32
    %dma_start3A_21 = arith.constant 5120 : i32
    %dma_start3A_22 = tpu.memref_slice %arg4[%dma_start3A_20, %dma_start3A_21] : memref<2x10112xi32, #tpu.memory_space<vmem>> -> memref<2x4992xi32, #tpu.memory_space<vmem>>
    %dma_start3A_23 = arith.constant 0 : i32
    %dma_start3A_24 = tpu.memref_slice %arg2[%dma_start3A_23, %add3A_14] : memref<2x320000xi32, #tpu.memory_space<hbm>> -> memref<2x4992xi32, #tpu.memory_space<hbm>>
    tpu.enqueue_dma source(%dma_start3A_24 : memref<2x4992xi32, #tpu.memory_space<hbm>>) target(%dma_start3A_22 : memref<2x4992xi32, #tpu.memory_space<vmem>>) target_semaphore(%arg7 : memref<!tpu.dma_semaphore, #tpu.memory_space<semaphore_mem>>)
    %broadcast_in_dim3A = arith.constant 0.000000e+00 : f32
    %broadcast_in_dim3A_25 = vector.broadcast %broadcast_in_dim3A : f32 to vector<16xf32>
    %scan3A = arith.constant 0 : i32
    %scan3A_26 = arith.constant 0 : i32
    %scan3A_27 = arith.constant 125 : i32
    %scan3A_28 = arith.addi %scan3A_26, %scan3A_27 : i32
    %scan3A_29 = arith.constant 1 : i32
    scf.for %scan3A_64 = %scan3A_26 to %scan3A_28 step %scan3A_29  : i32 {
      %mul3A_65 = arith.constant 5 : i32
      %mul3A_66 = arith.muli %scan3A_64, %mul3A_65 : i32
      %add3A_67 = arith.constant 0 : i32
      %add3A_68 = arith.addi %mul3A_66, %add3A_67 : i32
      %mul3A_69 = arith.constant 16 : i32
      %mul3A_70 = arith.muli %add3A_68, %mul3A_69 : i32
      %swap3A = arith.index_cast %mul3A_70 : i32 to index
      %swap3A_71 = tpu.vector_load %arg5[%swap3A] {strides = array<i32>} : memref<10000xf32, #tpu.memory_space<vmem>>, vector<16xf32>,
      tpu.vector_store %arg5[%swap3A], %broadcast_in_dim3A_25 {strides = array<i32>} : memref<10000xf32, #tpu.memory_space<vmem>>, vector<16xf32>,
      %mul3A_72 = arith.constant 5 : i32
      %mul3A_73 = arith.muli %scan3A_64, %mul3A_72 : i32
      %add3A_74 = arith.constant 1 : i32
      %add3A_75 = arith.addi %mul3A_73, %add3A_74 : i32
      %mul3A_76 = arith.constant 16 : i32
      %mul3A_77 = arith.muli %add3A_75, %mul3A_76 : i32
      %swap3A_78 = arith.index_cast %mul3A_77 : i32 to index
      %swap3A_79 = tpu.vector_load %arg5[%swap3A_78] {strides = array<i32>} : memref<10000xf32, #tpu.memory_space<vmem>>, vector<16xf32>,
      tpu.vector_store %arg5[%swap3A_78], %broadcast_in_dim3A_25 {strides = array<i32>} : memref<10000xf32, #tpu.memory_space<vmem>>, vector<16xf32>,
      %mul3A_80 = arith.constant 5 : i32
      %mul3A_81 = arith.muli %scan3A_64, %mul3A_80 : i32
      %add3A_82 = arith.constant 2 : i32
      %add3A_83 = arith.addi %mul3A_81, %add3A_82 : i32
      %mul3A_84 = arith.constant 16 : i32
      %mul3A_85 = arith.muli %add3A_83, %mul3A_84 : i32
      %swap3A_86 = arith.index_cast %mul3A_85 : i32 to index
      %swap3A_87 = tpu.vector_load %arg5[%swap3A_86] {strides = array<i32>} : memref<10000xf32, #tpu.memory_space<vmem>>, vector<16xf32>,
      tpu.vector_store %arg5[%swap3A_86], %broadcast_in_dim3A_25 {strides = array<i32>} : memref<10000xf32, #tpu.memory_space<vmem>>, vector<16xf32>,
      %mul3A_88 = arith.constant 5 : i32
      %mul3A_89 = arith.muli %scan3A_64, %mul3A_88 : i32
      %add3A_90 = arith.constant 3 : i32
      %add3A_91 = arith.addi %mul3A_89, %add3A_90 : i32
      %mul3A_92 = arith.constant 16 : i32
      %mul3A_93 = arith.muli %add3A_91, %mul3A_92 : i32
      %swap3A_94 = arith.index_cast %mul3A_93 : i32 to index
      %swap3A_95 = tpu.vector_load %arg5[%swap3A_94] {strides = array<i32>} : memref<10000xf32, #tpu.memory_space<vmem>>, vector<16xf32>,
      tpu.vector_store %arg5[%swap3A_94], %broadcast_in_dim3A_25 {strides = array<i32>} : memref<10000xf32, #tpu.memory_space<vmem>>, vector<16xf32>,
      %mul3A_96 = arith.constant 5 : i32
      %mul3A_97 = arith.muli %scan3A_64, %mul3A_96 : i32
      %add3A_98 = arith.constant 4 : i32
      %add3A_99 = arith.addi %mul3A_97, %add3A_98 : i32
      %mul3A_100 = arith.constant 16 : i32
      %mul3A_101 = arith.muli %add3A_99, %mul3A_100 : i32
      %swap3A_102 = arith.index_cast %mul3A_101 : i32 to index
      %swap3A_103 = tpu.vector_load %arg5[%swap3A_102] {strides = array<i32>} : memref<10000xf32, #tpu.memory_space<vmem>>, vector<16xf32>,
      tpu.vector_store %arg5[%swap3A_102], %broadcast_in_dim3A_25 {strides = array<i32>} : memref<10000xf32, #tpu.memory_space<vmem>>, vector<16xf32>,
    }
    %scan3A_30 = arith.constant 125 : i32
    %broadcast_in_dim3A_31 = arith.constant 1.000000e+00 : f32
    %broadcast_in_dim3A_32 = vector.broadcast %broadcast_in_dim3A_31 : f32 to vector<16xf32>
    %dma_wait3A = arith.constant 0 : i32
    %dma_wait3A_33 = arith.constant 0 : i32
    %dma_wait3A_34 = tpu.memref_slice %arg4[%dma_wait3A, %dma_wait3A_33] : memref<2x10112xi32, #tpu.memory_space<vmem>> -> memref<2x5120xi32, #tpu.memory_space<vmem>>
    %dma_wait3A_35 = arith.constant 0 : i32
    %dma_wait3A_36 = tpu.memref_slice %arg2[%dma_wait3A_35, %min3A_3] : memref<2x320000xi32, #tpu.memory_space<hbm>> -> memref<2x5120xi32, #tpu.memory_space<hbm>>
    %dma_wait3A_37 = arith.constant 0 : i32
    %dma_wait3A_38 = arith.constant 0 : i32
    %dma_wait3A_39 = tpu.memref_slice %arg4[%dma_wait3A_37, %dma_wait3A_38] : memref<2x10112xi32, #tpu.memory_space<vmem>> -> memref<2x5120xi32, #tpu.memory_space<vmem>>
    %dma_wait3A_40 = arith.constant 0 : i32
    %dma_wait3A_41 = tpu.memref_slice %arg2[%dma_wait3A_40, %min3A_3] : memref<2x320000xi32, #tpu.memory_space<hbm>> -> memref<2x5120xi32, #tpu.memory_space<hbm>>
    tpu.wait_dma2 semaphore(%arg6 : memref<!tpu.dma_semaphore, #tpu.memory_space<semaphore_mem>>) src(%dma_wait3A_41 : memref<2x5120xi32, #tpu.memory_space<hbm>>) dst(%dma_wait3A_39 : memref<2x5120xi32, #tpu.memory_space<vmem>>)
    %scan3A_42 = arith.constant 0 : i32
    %scan3A_43 = arith.constant 0 : i32
    %scan3A_44 = arith.constant 80 : i32
    %scan3A_45 = arith.addi %scan3A_43, %scan3A_44 : i32
    %scan3A_46 = arith.constant 1 : i32
    scf.for %scan3A_64 = %scan3A_43 to %scan3A_45 step %scan3A_46  : i32 {
      %mul3A_65 = arith.constant 4 : i32
      %mul3A_66 = arith.muli %scan3A_64, %mul3A_65 : i32
      %add3A_67 = arith.constant 0 : i32
      %add3A_68 = arith.addi %mul3A_66, %add3A_67 : i32
      %mul3A_69 = arith.constant 16 : i32
      %mul3A_70 = arith.muli %add3A_68, %mul3A_69 : i32
      %add3A_71 = arith.constant 0 : i32
      %add3A_72 = arith.addi %add3A_71, %mul3A_70 : i32
      %get3A = arith.constant 1 : i32
      %get3A_73 = arith.index_cast %get3A : i32 to index
      %get3A_74 = arith.index_cast %add3A_72 : i32 to index
      %get3A_75 = tpu.vector_load %arg4[%get3A_73, %get3A_74] {strides = array<i32>} : memref<2x10112xi32, #tpu.memory_space<vmem>>, vector<16xi32>,
      tpu.vector_store_idx %arg5[%get3A_75], %broadcast_in_dim3A_32 : memref<10000xf32, #tpu.memory_space<vmem>>[vector<16xi32>], vector<16xf32>,
      %mul3A_76 = arith.constant 4 : i32
      %mul3A_77 = arith.muli %scan3A_64, %mul3A_76 : i32
      %add3A_78 = arith.constant 1 : i32
      %add3A_79 = arith.addi %mul3A_77, %add3A_78 : i32
      %mul3A_80 = arith.constant 16 : i32
      %mul3A_81 = arith.muli %add3A_79, %mul3A_80 : i32
      %add3A_82 = arith.constant 0 : i32
      %add3A_83 = arith.addi %add3A_82, %mul3A_81 : i32
      %get3A_84 = arith.constant 1 : i32
      %get3A_85 = arith.index_cast %get3A_84 : i32 to index
      %get3A_86 = arith.index_cast %add3A_83 : i32 to index
      %get3A_87 = tpu.vector_load %arg4[%get3A_85, %get3A_86] {strides = array<i32>} : memref<2x10112xi32, #tpu.memory_space<vmem>>, vector<16xi32>,
      tpu.vector_store_idx %arg5[%get3A_87], %broadcast_in_dim3A_32 : memref<10000xf32, #tpu.memory_space<vmem>>[vector<16xi32>], vector<16xf32>,
      %mul3A_88 = arith.constant 4 : i32
      %mul3A_89 = arith.muli %scan3A_64, %mul3A_88 : i32
      %add3A_90 = arith.constant 2 : i32
      %add3A_91 = arith.addi %mul3A_89, %add3A_90 : i32
      %mul3A_92 = arith.constant 16 : i32
      %mul3A_93 = arith.muli %add3A_91, %mul3A_92 : i32
      %add3A_94 = arith.constant 0 : i32
      %add3A_95 = arith.addi %add3A_94, %mul3A_93 : i32
      %get3A_96 = arith.constant 1 : i32
      %get3A_97 = arith.index_cast %get3A_96 : i32 to index
      %get3A_98 = arith.index_cast %add3A_95 : i32 to index
      %get3A_99 = tpu.vector_load %arg4[%get3A_97, %get3A_98] {strides = array<i32>} : memref<2x10112xi32, #tpu.memory_space<vmem>>, vector<16xi32>,
      tpu.vector_store_idx %arg5[%get3A_99], %broadcast_in_dim3A_32 : memref<10000xf32, #tpu.memory_space<vmem>>[vector<16xi32>], vector<16xf32>,
      %mul3A_100 = arith.constant 4 : i32
      %mul3A_101 = arith.muli %scan3A_64, %mul3A_100 : i32
      %add3A_102 = arith.constant 3 : i32
      %add3A_103 = arith.addi %mul3A_101, %add3A_102 : i32
      %mul3A_104 = arith.constant 16 : i32
      %mul3A_105 = arith.muli %add3A_103, %mul3A_104 : i32
      %add3A_106 = arith.constant 0 : i32
      %add3A_107 = arith.addi %add3A_106, %mul3A_105 : i32
      %get3A_108 = arith.constant 1 : i32
      %get3A_109 = arith.index_cast %get3A_108 : i32 to index
      %get3A_110 = arith.index_cast %add3A_107 : i32 to index
      %get3A_111 = tpu.vector_load %arg4[%get3A_109, %get3A_110] {strides = array<i32>} : memref<2x10112xi32, #tpu.memory_space<vmem>>, vector<16xi32>,
      tpu.vector_store_idx %arg5[%get3A_111], %broadcast_in_dim3A_32 : memref<10000xf32, #tpu.memory_space<vmem>>[vector<16xi32>], vector<16xf32>,
    }
    %scan3A_47 = arith.constant 80 : i32
    %dma_wait3A_48 = arith.constant 0 : i32
    %dma_wait3A_49 = arith.constant 5120 : i32
    %dma_wait3A_50 = tpu.memref_slice %arg4[%dma_wait3A_48, %dma_wait3A_49] : memref<2x10112xi32, #tpu.memory_space<vmem>> -> memref<2x4992xi32, #tpu.memory_space<vmem>>
    %dma_wait3A_51 = arith.constant 0 : i32
    %dma_wait3A_52 = tpu.memref_slice %arg2[%dma_wait3A_51, %add3A_14] : memref<2x320000xi32, #tpu.memory_space<hbm>> -> memref<2x4992xi32, #tpu.memory_space<hbm>>
    %dma_wait3A_53 = arith.constant 0 : i32
    %dma_wait3A_54 = arith.constant 5120 : i32
    %dma_wait3A_55 = tpu.memref_slice %arg4[%dma_wait3A_53, %dma_wait3A_54] : memref<2x10112xi32, #tpu.memory_space<vmem>> -> memref<2x4992xi32, #tpu.memory_space<vmem>>
    %dma_wait3A_56 = arith.constant 0 : i32
    %dma_wait3A_57 = tpu.memref_slice %arg2[%dma_wait3A_56, %add3A_14] : memref<2x320000xi32, #tpu.memory_space<hbm>> -> memref<2x4992xi32, #tpu.memory_space<hbm>>
    tpu.wait_dma2 semaphore(%arg7 : memref<!tpu.dma_semaphore, #tpu.memory_space<semaphore_mem>>) src(%dma_wait3A_57 : memref<2x4992xi32, #tpu.memory_space<hbm>>) dst(%dma_wait3A_55 : memref<2x4992xi32, #tpu.memory_space<vmem>>)
    %scan3A_58 = arith.constant 0 : i32
    %scan3A_59 = arith.constant 0 : i32
    %scan3A_60 = arith.constant 78 : i32
    %scan3A_61 = arith.addi %scan3A_59, %scan3A_60 : i32
    %scan3A_62 = arith.constant 1 : i32
    scf.for %scan3A_64 = %scan3A_59 to %scan3A_61 step %scan3A_62  : i32 {
      %mul3A_65 = arith.constant 4 : i32
      %mul3A_66 = arith.muli %scan3A_64, %mul3A_65 : i32
      %add3A_67 = arith.constant 0 : i32
      %add3A_68 = arith.addi %mul3A_66, %add3A_67 : i32
      %mul3A_69 = arith.constant 16 : i32
      %mul3A_70 = arith.muli %add3A_68, %mul3A_69 : i32
      %add3A_71 = arith.constant 5120 : i32
      %add3A_72 = arith.addi %add3A_71, %mul3A_70 : i32
      %get3A = arith.constant 1 : i32
      %get3A_73 = arith.index_cast %get3A : i32 to index
      %get3A_74 = arith.index_cast %add3A_72 : i32 to index
      %get3A_75 = tpu.vector_load %arg4[%get3A_73, %get3A_74] {strides = array<i32>} : memref<2x10112xi32, #tpu.memory_space<vmem>>, vector<16xi32>,
      tpu.vector_store_idx %arg5[%get3A_75], %broadcast_in_dim3A_32 : memref<10000xf32, #tpu.memory_space<vmem>>[vector<16xi32>], vector<16xf32>,
      %mul3A_76 = arith.constant 4 : i32
      %mul3A_77 = arith.muli %scan3A_64, %mul3A_76 : i32
      %add3A_78 = arith.constant 1 : i32
      %add3A_79 = arith.addi %mul3A_77, %add3A_78 : i32
      %mul3A_80 = arith.constant 16 : i32
      %mul3A_81 = arith.muli %add3A_79, %mul3A_80 : i32
      %add3A_82 = arith.constant 5120 : i32
      %add3A_83 = arith.addi %add3A_82, %mul3A_81 : i32
      %get3A_84 = arith.constant 1 : i32
      %get3A_85 = arith.index_cast %get3A_84 : i32 to index
      %get3A_86 = arith.index_cast %add3A_83 : i32 to index
      %get3A_87 = tpu.vector_load %arg4[%get3A_85, %get3A_86] {strides = array<i32>} : memref<2x10112xi32, #tpu.memory_space<vmem>>, vector<16xi32>,
      tpu.vector_store_idx %arg5[%get3A_87], %broadcast_in_dim3A_32 : memref<10000xf32, #tpu.memory_space<vmem>>[vector<16xi32>], vector<16xf32>,
      %mul3A_88 = arith.constant 4 : i32
      %mul3A_89 = arith.muli %scan3A_64, %mul3A_88 : i32
      %add3A_90 = arith.constant 2 : i32
      %add3A_91 = arith.addi %mul3A_89, %add3A_90 : i32
      %mul3A_92 = arith.constant 16 : i32
      %mul3A_93 = arith.muli %add3A_91, %mul3A_92 : i32
      %add3A_94 = arith.constant 5120 : i32
      %add3A_95 = arith.addi %add3A_94, %mul3A_93 : i32
      %get3A_96 = arith.constant 1 : i32
      %get3A_97 = arith.index_cast %get3A_96 : i32 to index
      %get3A_98 = arith.index_cast %add3A_95 : i32 to index
      %get3A_99 = tpu.vector_load %arg4[%get3A_97, %get3A_98] {strides = array<i32>} : memref<2x10112xi32, #tpu.memory_space<vmem>>, vector<16xi32>,
      tpu.vector_store_idx %arg5[%get3A_99], %broadcast_in_dim3A_32 : memref<10000xf32, #tpu.memory_space<vmem>>[vector<16xi32>], vector<16xf32>,
      %mul3A_100 = arith.constant 4 : i32
      %mul3A_101 = arith.muli %scan3A_64, %mul3A_100 : i32
      %add3A_102 = arith.constant 3 : i32
      %add3A_103 = arith.addi %mul3A_101, %add3A_102 : i32
      %mul3A_104 = arith.constant 16 : i32
      %mul3A_105 = arith.muli %add3A_103, %mul3A_104 : i32
      %add3A_106 = arith.constant 5120 : i32
      %add3A_107 = arith.addi %add3A_106, %mul3A_105 : i32
      %get3A_108 = arith.constant 1 : i32
      %get3A_109 = arith.index_cast %get3A_108 : i32 to index
      %get3A_110 = arith.index_cast %add3A_107 : i32 to index
      %get3A_111 = tpu.vector_load %arg4[%get3A_109, %get3A_110] {strides = array<i32>} : memref<2x10112xi32, #tpu.memory_space<vmem>>, vector<16xi32>,
      tpu.vector_store_idx %arg5[%get3A_111], %broadcast_in_dim3A_32 : memref<10000xf32, #tpu.memory_space<vmem>>[vector<16xi32>], vector<16xf32>,
    }
    %scan3A_63 = arith.constant 78 : i32
    "tpu.region"() ({
      %run_scoped3A = tpu.sem_alloc : memref<!tpu.dma_semaphore, #tpu.memory_space<semaphore_mem>>
      %dma_start3A_64 = arith.constant 0 : i32
      %dma_start3A_65 = tpu.memref_slice %arg3[%add3A, %dma_start3A_64] : memref<32x10000xf32, #tpu.memory_space<hbm>> -> memref<1x10000xf32, #tpu.memory_space<hbm>>
      %dma_start3A_66 = tpu.memref_squeeze %dma_start3A_65 : memref<1x10000xf32, #tpu.memory_space<hbm>> -> memref<10000xf32, #tpu.memory_space<hbm>>
      %dma_start3A_67 = arith.constant 0 : i32
      %dma_start3A_68 = tpu.memref_slice %arg3[%add3A, %dma_start3A_67] : memref<32x10000xf32, #tpu.memory_space<hbm>> -> memref<1x10000xf32, #tpu.memory_space<hbm>>
      %dma_start3A_69 = tpu.memref_squeeze %dma_start3A_68 : memref<1x10000xf32, #tpu.memory_space<hbm>> -> memref<10000xf32, #tpu.memory_space<hbm>>
      tpu.enqueue_dma source(%arg5 : memref<10000xf32, #tpu.memory_space<vmem>>) target(%dma_start3A_69 : memref<10000xf32, #tpu.memory_space<hbm>>) target_semaphore(%run_scoped3A : memref<!tpu.dma_semaphore, #tpu.memory_space<semaphore_mem>>)
      %dma_wait3A_70 = arith.constant 0 : i32
      %dma_wait3A_71 = tpu.memref_slice %arg3[%add3A, %dma_wait3A_70] : memref<32x10000xf32, #tpu.memory_space<hbm>> -> memref<1x10000xf32, #tpu.memory_space<hbm>>
      %dma_wait3A_72 = tpu.memref_squeeze %dma_wait3A_71 : memref<1x10000xf32, #tpu.memory_space<hbm>> -> memref<10000xf32, #tpu.memory_space<hbm>>
      %dma_wait3A_73 = arith.constant 0 : i32
      %dma_wait3A_74 = tpu.memref_slice %arg3[%add3A, %dma_wait3A_73] : memref<32x10000xf32, #tpu.memory_space<hbm>> -> memref<1x10000xf32, #tpu.memory_space<hbm>>
      %dma_wait3A_75 = tpu.memref_squeeze %dma_wait3A_74 : memref<1x10000xf32, #tpu.memory_space<hbm>> -> memref<10000xf32, #tpu.memory_space<hbm>>
      tpu.wait_dma2 semaphore(%run_scoped3A : memref<!tpu.dma_semaphore, #tpu.memory_space<semaphore_mem>>) src(%arg5 : memref<10000xf32, #tpu.memory_space<vmem>>) dst(%dma_wait3A_75 : memref<10000xf32, #tpu.memory_space<hbm>>)
      tpu.yield
    }) : () -> ()
    return
  }
}

module attributes {stable_mosaic.version = 14 : i64} {
  func.func @_tc_body(%arg0: memref<10000x128xf32, #tpu.memory_space<vmem>>, %arg1: memref<128x128xf32, #tpu.memory_space<vmem>>, %arg2: memref<128x128xf32, #tpu.memory_space<vmem>>, %arg3: memref<1x128xf32, #tpu.memory_space<vmem>>, %arg4: memref<32x10000xf32, #tpu.memory_space<vmem>>, %arg5: memref<10000x128xf32, #tpu.memory_space<vmem>>) attributes {dimension_semantics = [], scalar_prefetch = 0 : i64, scratch_operands = 0 : i64, tpu.core_type = #tpu.core_type<tc>} {
    %get3A = arith.constant 0 : index
    %get3A_0 = arith.constant 0 : index
    %get3A_1 = vector.load %arg4[%get3A, %get3A_0] : memref<32x10000xf32, #tpu.memory_space<vmem>>, vector<32x10000xf32>
    %reduce_sum3A = arith.constant dense<0.000000e+00> : vector<10000xf32>
    %reduce_sum3A_2 = vector.multi_reduction <add>, %get3A_1, %reduce_sum3A [0] : vector<32x10000xf32> to vector<10000xf32>
    %gt3A = arith.constant 0.000000e+00 : f32
    %gt3A_3 = vector.broadcast %gt3A : f32 to vector<10000xf32>
    %gt3A_4 = arith.cmpf ogt, %reduce_sum3A_2, %gt3A_3 : vector<10000xf32>
    %convert_element_type3A = arith.extui %gt3A_4 : vector<10000xi1> to vector<10000xi32>
    %convert_element_type3A_5 = arith.sitofp %convert_element_type3A : vector<10000xi32> to vector<10000xf32>
    %broadcast_in_dim3A = vector.shape_cast %convert_element_type3A_5 : vector<10000xf32> to vector<10000x1xf32>
    %get3A_6 = arith.constant 0 : index
    %get3A_7 = arith.constant 0 : index
    %get3A_8 = vector.load %arg0[%get3A_6, %get3A_7] : memref<10000x128xf32, #tpu.memory_space<vmem>>, vector<10000x128xf32>
    %mul3A = vector.broadcast %broadcast_in_dim3A : vector<10000x1xf32> to vector<10000x128xf32>
    %mul3A_9 = arith.mulf %get3A_8, %mul3A : vector<10000x128xf32>
    %get3A_10 = arith.constant 0 : index
    %get3A_11 = arith.constant 0 : index
    %get3A_12 = vector.load %arg1[%get3A_10, %get3A_11] : memref<128x128xf32, #tpu.memory_space<vmem>>, vector<128x128xf32>
    %dot_general3A = arith.constant dense<0.000000e+00> : vector<10000x128xf32>
    %dot_general3A_13 = tpu.matmul %mul3A_9, %get3A_12, %dot_general3A {dimension_numbers = #tpu.dot_dimension_numbers<[1], [1], [0], [0], [0, 0, 1, 0], [], []>, transpose_lhs_hint = false} : vector<10000x128xf32>, vector<128x128xf32>, vector<10000x128xf32> -> vector<10000x128xf32>
    %get3A_14 = arith.constant 0 : index
    %get3A_15 = arith.constant 0 : index
    %get3A_16 = vector.load %arg2[%get3A_14, %get3A_15] : memref<128x128xf32, #tpu.memory_space<vmem>>, vector<128x128xf32>
    %dot_general3A_17 = arith.constant dense<0.000000e+00> : vector<10000x128xf32>
    %dot_general3A_18 = tpu.matmul %dot_general3A_13, %get3A_16, %dot_general3A_17 {dimension_numbers = #tpu.dot_dimension_numbers<[1], [1], [0], [0], [0, 0, 1, 0], [], []>, transpose_lhs_hint = false} : vector<10000x128xf32>, vector<128x128xf32>, vector<10000x128xf32> -> vector<10000x128xf32>
    %get3A_19 = arith.constant 0 : index
    %get3A_20 = arith.constant 0 : index
    %get3A_21 = vector.load %arg3[%get3A_19, %get3A_20] : memref<1x128xf32, #tpu.memory_space<vmem>>, vector<1x128xf32>
    %add3A = vector.broadcast %get3A_21 : vector<1x128xf32> to vector<10000x128xf32>
    %add3A_22 = arith.addf %dot_general3A_18, %add3A : vector<10000x128xf32>
    %swap3A = arith.constant 0 : index
    %swap3A_23 = arith.constant 0 : index
    %swap3A_24 = vector.load %arg5[%swap3A, %swap3A_23] : memref<10000x128xf32, #tpu.memory_space<vmem>>, vector<10000x128xf32>
    tpu.vector_store %arg5[%swap3A, %swap3A_23], %add3A_22 {strides = array<i32>} : memref<10000x128xf32, #tpu.memory_space<vmem>>, vector<10000x128xf32>,
    return
  }
}

</mosaic_0001>

<sc_bundles>
// kernel: kernel.4.cloned.1.call-start
scs
__scs_entry_jumppad:
0x0: {  	(pc) =	sbr.rel $0x88, $3  }
0x1: {  	(tag) =	ssettag $0x0;
	lr =	simm.s32 $0x1  }
0x2: {  	[smem:$0x3F9C] =	sst lr;
	_ =	strace $0xD0000000  }
0x3: {  	_ = 	snop  }
0x4: {  	_ = 	snop  }
0x5: {  	_ = 	snop  }
0x6: {  	_ = 	snop  }
0x7: {  	_ = 	snop  }
__scs_overlays_trampoline_lowered:
0x8: {  	[smem:$0x3FAB] =	sst s0  }
0x9: {  	[smem:$0x3FAC] =	sst s1  }
0xa: {  	[smem:$0x3FAD] =	sst s2  }
0xb: {  	[smem:$0x3FAE] =	sst s3  }
0xc: {  	[smem:$0x3FAF] =	sst s4  }
0xd: {  	[smem:$0x3FB0] =	sst s5  }
0xe: {  	[smem:$0x3FB1] =	sst s6  }
0xf: {  	[smem:$0x3FB2] =	sst s7  }
0x10: {  	[smem:$0x3FB3] =	sst s8  }
0x11: {  	[smem:$0x3FB4] =	sst s9;
	s0 =	simm.s32 @!p0 $0x0  }
0x12: {  	s1 =	sld [smem:$0x3F9A];
	s0 =	simm.s32 @p0 $0x1  }
0x13: {  	[smem:$0x3FB5] =	sst s0;
	s0 =	simm.s32 @!p1 $0x0  }
0x14: {  	s2 =	sld [smem:$0x3F99];
	s0 =	simm.s32 @p1 $0x1  }
0x15: {  	[smem:$0x3FB6] =	sst s0;
	s0 =	simm.s32 @!p2 $0x0  }
0x16: {  	s3 =	sld [smem:$0x3FDB];
	s0 =	simm.s32 @p2 $0x1  }
0x17: {  	s4 =	simm.s32 $0x1BF5;
	[smem:$0x3FB8] =	sst s0  }
0x18: {  	s0 =	sld [smem:$0x3F9B];
	_ =	swait.ge [sflag:s4], $0x0  }
0x19: {  	s7 =	sld [smem:$0x3F9C]  }
0x1a: {  	s8 =	sadd.s32 $0xFFFFE003, lr  }
0x1b: {  	s9 =	sadd.s32 $0xFFFFFEF7, lr;
	s5 =	simm.s32 $0xFFFFFFFF;
	p2 =	slt.u32 s8, $0xFFFFF086  }
0x1c: {  	p1 =	slt.u32 s9, $0xF7A;
	s5 =	simm.s32 @!p2 $0x0  }
0x1d: {  	s5 =	simm.s32 @p1 $0x1;
	p0 =	seq.s32 s7, s2  }
0x1e: {  	s7 =	smul.u32 @!p0 $0xF7A, s2;
	p2 =	seq.s32 @!p0 s5, $0x0  }
0x1f: {  	s9 =	smul.u32 $0xF7A, s1;
	s8 =	simm.s32 @!p0 $0x1BF5;
	p2 =	por !p2, p0  }
0x20: {  	[sflag:s8] =	ssyncset.s32 @!p0 $0xFFFFF086;
	s6 =	sadd.s32 @!p0 s3, s7;
	s7 =	simm.s32 @!p0 $0x108  }
0x21: {  	s3 =	sadd.s32 s3, s9;
	s6 =	sadd.s32 @!p0 $0x88, s6;
	s7 =	simm.s32 @p2 $0x1082  }
0x22: {  	[simem:s7], [sflag:s8] =	dma.local @!p0 [hbm:s6], $0xF7A  }
0x23: {  	s9 =	sor.u32 $0xD0000000, s2;
	s6 =	simm.s32 $0x108;
	_ =	swait.ge @!p0 [sflag:s8], $0x0  }
0x24: {  	s3 =	sadd.s32 $0x88, s3;
	s6 =	simm.s32 @!p1 $0x1082;
	[sflag:s4] =	ssyncset.s32 $0xFFFFF086  }
0x25: {  	[simem:s6], [sflag:s4] =	dma.local [hbm:s3], $0xF7A  }
0x26: {  	[smem:$0x3F9C] =	sst s1;
	(tag) =	ssettag s2;
	_ =	strace s9  }
0x27: {  	s1 =	sld [smem:$0x3FAC]  }
0x28: {  	s2 =	sld [smem:$0x3FAD]  }
0x29: {  	s4 =	sld [smem:$0x3FAF]  }
0x2a: {  	p0 =	seq.s32 s5, $0x0;
	s5 =	sld [smem:$0x3FB0]  }
0x2b: {  	s6 =	sld [smem:$0x3FB1]  }
0x2c: {  	s7 =	sld [smem:$0x3FB2]  }
0x2d: {  	s3 =	simm.s32 $0x108;
	s8 =	sld [smem:$0x3FB3]  }
0x2e: {  	s3 =	simm.s32 @!p0 $0x1082;
	s9 =	sld [smem:$0x3FB4]  }
0x2f: {  	lr =	sadd.s32 s0, s3;
	s0 =	sld [smem:$0x3FAB]  }
0x30: {  	s3 =	sld [smem:$0x3FAE]  }
0x31: {  	[smem:$0x3FB7] =	sst s10  }
0x32: {  	s10 =	sld [smem:$0x3FB5];
	_ =	sdelay $0x3  }
0x33: {  	p0 =	seq.s32 s10, $0x1;
	s10 =	sld [smem:$0x3FB7];
	_ =	sdelay $0x3  }
0x34: {  	[smem:$0x3FB7] =	sst s10  }
0x35: {  	s10 =	sld [smem:$0x3FB6];
	_ =	sdelay $0x3  }
0x36: {  	p1 =	seq.s32 s10, $0x1;
	s10 =	sld [smem:$0x3FB7];
	_ =	sdelay $0x3  }
0x37: {  	[smem:$0x3FB7] =	sst s10  }
0x38: {  	s10 =	sld [smem:$0x3FB8]  }
0x39: {  	_ = 	snop;
	(pc) =	sbr.ind lr, $3  }
0x3a: {  	_ = 	snop  }
0x3b: {  	_ = 	snop  }
0x3c: {  	p2 =	seq.s32 s10, $0x1;
	s10 =	sld [smem:$0x3FB7]  }
0x3d: {  	_ =	shalt  }
0x3e: {  	_ =	shalt  }
0x3f: {  	_ =	shalt  }
0x40: {  	_ =	shalt  }
0x41: {  	_ =	shalt  }
0x42: {  	_ =	shalt  }
0x43: {  	_ =	shalt  }
0x44: {  	_ =	shalt  }
0x45: {  	_ =	shalt  }
0x46: {  	_ =	shalt  }
0x47: {  	_ =	shalt  }
0x48: {  	_ =	shalt  }
0x49: {  	_ =	shalt  }
0x4a: {  	_ =	shalt  }
0x4b: {  	_ =	shalt  }
0x4c: {  	_ =	shalt  }
0x4d: {  	_ =	shalt  }
0x4e: {  	_ =	shalt  }
0x4f: {  	_ =	shalt  }
0x50: {  	_ =	shalt  }
0x51: {  	_ =	shalt  }
0x52: {  	_ =	shalt  }
0x53: {  	_ =	shalt  }
0x54: {  	_ =	shalt  }
0x55: {  	_ =	shalt  }
0x56: {  	_ =	shalt  }
0x57: {  	_ =	shalt  }
0x58: {  	_ =	shalt  }
0x59: {  	_ =	shalt  }
0x5a: {  	_ =	shalt  }
0x5b: {  	_ =	shalt  }
0x5c: {  	_ =	shalt  }
0x5d: {  	_ =	shalt  }
0x5e: {  	_ =	shalt  }
0x5f: {  	_ =	shalt  }
0x60: {  	_ =	shalt  }
0x61: {  	_ =	shalt  }
0x62: {  	_ =	shalt  }
0x63: {  	_ =	shalt  }
0x64: {  	_ =	shalt  }
0x65: {  	_ =	shalt  }
0x66: {  	_ =	shalt  }
0x67: {  	_ =	shalt  }
0x68: {  	_ =	shalt  }
0x69: {  	_ =	shalt  }
0x6a: {  	_ =	shalt  }
0x6b: {  	_ =	shalt  }
0x6c: {  	_ =	shalt  }
0x6d: {  	_ =	shalt  }
0x6e: {  	_ =	shalt  }
0x6f: {  	_ =	shalt  }
0x70: {  	_ =	shalt  }
0x71: {  	_ =	shalt  }
0x72: {  	_ =	shalt  }
0x73: {  	_ =	shalt  }
0x74: {  	_ =	shalt  }
0x75: {  	_ =	shalt  }
0x76: {  	_ =	shalt  }
0x77: {  	_ =	shalt  }
0x78: {  	_ =	shalt  }
0x79: {  	_ =	shalt  }
0x7a: {  	_ =	shalt  }
0x7b: {  	_ =	shalt  }
0x7c: {  	_ =	shalt  }
0x7d: {  	_ =	shalt  }
0x7e: {  	_ =	shalt  }
0x7f: {  	_ =	shalt  }
0x80: {  	_ =	shalt  }
0x81: {  	_ =	shalt  }
0x82: {  	_ =	shalt  }
0x83: {  	_ =	shalt  }
0x84: {  	_ =	shalt  }
0x85: {  	_ =	shalt  }
0x86: {  	_ =	shalt  }
0x87: {  	_ =	shalt  }
.Lfunc_end0:
.L_simem_size_0:
called_computation_lowered:
.L_overlay_start_0:
0x88: {  	s2 =	sld [smem:$0x3FD9]  }
0x89: {  	s3 =	sld [smem:$0x3FFE];
	_ =	sdelay $0x1  }
0x8a: {  	s1 =	srdreg.scid  }
0x8b: {  	s0 =	sand.u32 $0x1, s1  }
0x8c: {  	s18 =	sshll.u32 s0, $0xA;
	s2 =	sadd.s32 s3, s2  }
0x8d: {  	s2 =	sadd.s32 s2, s18  }
0x8e: {  	[smem:$0x3FC3] =	sst s2  }
0x8f: {  	_ = 	snop  }
0x90: {  	s2 =	sld [smem:$0x3FC8]  }
0x91: {  	s19 =	sld [smem:$0x3FD0];
	(tm) =	ssettm $0x1  }
0x92: {  	s4 =	sld [smem:$0x3FFB];
	_ =	sdelay $0x3  }
0x93: {  	_ =	strace s4  }
0x94: {  	s4 =	sld [smem:$0x3FFC];
	_ =	sdelay $0x3  }
0x95: {  	_ =	strace s4  }
0x96: {  	s4 =	sld [smem:$0x3FFD];
	_ =	sdelay $0x3  }
0x97: {  	_ =	strace s4  }
0x98: {  	_ =	strace $0x8FFFFFFF  }
0x99: {  	s20 =	sld [smem:$0x3FDB];
	_ =	sdelay $0x1  }
0x9a: {  	s5 =	simm.s32 $_scs_section_size  }
0x9b: {  	s6 =	simm.s32 $_size__tile_overlayer_lowered;
	s7 =	simm.s32 $_tile_overlayer_lowered  }
0x9c: {  	s23 =	simm.s32 $0x1BFF;
	s22 =	sshll.u32 s7, $0x1;
	s4 =	sadd.s32 s5, s20  }
0x9d: {  	s8 =	simm.s32 $0x0;
	s21 =	sshll.u32 s6, $0x1;
	s6 =	sadd.s32 s22, s4  }
0x9e: {  	[timem:s8], [sflag:s23] =	dma.local [hbm:s6], s21  }
0x9f: {  	_ =	swait.ge [sflag:s23], s21  }
0xa0: {  	s5 =	ssub.s32 $0x0, s21;
	[sflag:s23] =	ssyncset.done $0x0  }
0xa1: {  	[sflag:s23] =	ssyncadd.s32 s5;
	_ =	sdelay $0x1  }
0xa2: {  	s24 =	simm.s32 $0x1B8B  }
0xa3: {  	_ =	swait.ge [sflag:s24], $0x1  }
0xa4: {  	[sflag:s24] =	ssyncset.done $0x0  }
0xa5: {  	s25 =	simm.s32 $0x1B8E;
	[sflag:s24] =	ssyncadd.s32 $0xFFFFFFFF  }
0xa6: {  	s26 =	simm.s32 $execute0_lowered;
	[smem:$0x3FD2] =	sst s25  }
0xa7: {  	s5 =	sshll.u32 s26, $0x1;
	_ =	strace $0x80000046;
	[dreg:$0x1] =	wrdreg $0xFFFFFFFF  }
0xa8: {  	s28 =	simm.s32 $_size_execute0_lowered;
	s4 =	sadd.s32 s4, s5;
	[dreg:$0x0] =	wrdreg $0x0  }
0xa9: {  	s5 =	sshll.u32 s28, $0x1;
	[dreg:$0x2] =	wrdreg s4  }
0xaa: {  	[dreg:$0x3] =	wrdreg s5  }
0xab: {  	[dreg:$0x4] =	wrdreg $0xC0  }
0xac: {  	_ =	task [dreg:s8], $0x5FFFF  }
0xad: {  	[dreg:$0x1] =	wrdreg $0xFFFFFFFF  }
0xae: {  	[dreg:$0x0] =	wrdreg $0x60  }
0xaf: {  	[dreg:$0x2] =	wrdreg s2  }
0xb0: {  	[dreg:$0x3] =	wrdreg s19  }
0xb1: {  	[dreg:$0x4] =	wrdreg $0x9  }
0xb2: {  	_ =	task.clear_ibuf [dreg:s8], $0x5FFFF;
	_ =	strace $0x90000046  }
0xb3: {  	s29 =	simm.s32 $0x9;
	_ =	strace $0x80000048  }
0xb4: {  	_ =	swait.ge [sflag:s29], $0x1  }
0xb5: {  	[sflag:s29] =	ssyncadd.s32 $0xFFFFFFFF  }
0xb6: {  	_ =	strace $0x90000048  }
0xb7: {  	_ =	sfence  }
0xb8: {  	s30 =	sld [smem:$0x0];
	_ =	sdelay $0x2  }
0xb9: {  	s31 =	sshll.u32 s1, $0xD;
	s1 =	sshrl.u32 s1, $0x2  }
0xba: {  	s3 =	sand.u32 $0x4000, s31;
	s1 =	sadd.s32 s1, s30  }
0xbb: {  	s0 =	sor.u32 s3, s0;
	s1 =	sshll.u32 s1, $0x11  }
0xbc: {  	s0 =	sor.u32 s1, s0  }
0xbd: {  	s0 =	sadd.s32 $0x8F2B, s0  }
0xbe: {  	[sflag:s0] =	ssyncadd.remote.s32 $0x1  }
0xbf: {  	_ =	sfence.sel $0xFFFF  }
0xc0: {  	[dreg:$0x0] =	wrdreg $0xFFFFFFFF;
	(pc) =	sbr.abs _section_cstart, $3  }
0xc1: {  	[dreg:$0x1] =	wrdreg $0xFFFFFFFF  }
0xc2: {  	_ =	task.clear_ibuf [dreg:s8], $0x2FFFF;
	_ =	strace $0x9FFFFFFF  }
0xc3: {  	(tm) =	ssettm $0x7FFFFFFF  }
tec
execute0_lowered:
.L_overlay_start_1:
0x0: {  	(tag) =	ssettag $0x1  }
0x1: {  	s3 =	rddreg [dreg:$0x0];
	s1 =	srdreg.scid  }
0x2: {  	s0 =	stileid.u32;
	s5 =	rddreg [dreg:$0x1];
	s9 =	simm.s32 $0x4F00  }
0x3: {  	s10 =	simm.s32 $0x2;
	s11 =	simm.s32 $0x80;
	s12 =	simm.s32 $0x400  }
0x4: {  	s13 =	simm.s32 $0x3;
	s14 =	simm.s32 $0x0;
	s4 =	sand.u32 $0x1, s1  }
0x5: {  	s2 =	sshll.u32 s0, $0x1;
	s1 =	rddreg [dreg:$0x2];
	s8 =	sshrl.u32 s0, $0x2  }
0x6: {  	s6 =	sor.u32 s4, s2;
	s2 =	simm.s32 $0x0;
	s8 =	smul.u32 $0x13C00, s8  }
0x7: {  	s4 =	ssub.s32 $0x2, s4;
	s7 =	smul.u32 $0x2780, s6;
	s6 =	sshll.u32 s6, $0x7  }
0x8: {  	[smem:$0x7FF] =	sst s2;
	s30 =	sshrl.u32 s4, $0x1;
	s6 =	sand.u32 $0x380, s6  }
0x9: {  	_ =	strace $0x80000047;
	s7 =	smin.u32 s7, $0x4BA80;
	s6 =	sor.u32 s8, s6  }
0xa: {  	s31 =	ssub.s32 s4, s30;
	s7 =	sshrl.u32 s7, $0x2;
	s6 =	sshrl.u32 s6, $0x3  }
0xb: {  	s8 =	simm.s32 $0x1;
	s3 =	sadd.s32 s3, s7;
	s5 =	sadd.s32 s5, s6  }
0xc: {  	v0 =	vimm.f32 $0.0e+00;
	v1 =	vimm.f32 $1.000000000e+00;
	s6 =	smax.u32 s31, $0x1;
	s7 =	simm.s32 $0x2800;
	s4 =	sadd.s32 $0x500, s3  }
.LBB2_1:
0xd: {  	[tilespmem:s2], [sflag:$0x1] =	stream.linear.gather [hbm4b:s3+s2], $0x2800, $0x38;
	[tilespmem:$0x7680] =	vst v63  }
0xe: {  	s16 =	simm.s32 $0x140;
	s15 =	simm.s32 $0x0  }
0xf: {  	[tilespmem:s7], [sflag:$0x2] =	stream.linear.gather [hbm4b:s4+s2], $0x2700, $0x38;
	[tilespmem:$0x7680] =	vst v63  }
.LBB2_2:
0x10: {  	p0 =	sne.s32 s16, $0x9B00;
	[tilespmem:s15+$0x4F40] =	vst v0;
	s17 =	smov.u32 s16;
	s16 =	sadd.s32 $0x140, s16  }
.Ltmp0:
0x11: {  	[tilespmem:s15+$0x4F30] =	vst v0;
	(pc) =	sbr.rel @p0 .LBB2_2-.Ltmp0, $4  }
0x12: {  	[tilespmem:s15+$0x4F20] =	vst v0  }
0x13: {  	[tilespmem:s15+$0x4F00] =	vst v0  }
0x14: {  	[tilespmem:s15+$0x4F10] =	vst v0  }
0x15: {  	s15 =	sshra.s32 s17, $0x2  }
0x16: {  	[tilespmem:s15+$0x4F40] =	vst v0  }
0x17: {  	[tilespmem:s15+$0x4F30] =	vst v0  }
0x18: {  	[tilespmem:s15+$0x4F20] =	vst v0  }
0x19: {  	[tilespmem:s15+$0x4F00] =	vst v0  }
0x1a: {  	[tilespmem:s15+$0x4F10] =	vst v0  }
0x1b: {  	_ =	swait.ge [sflag:s8], $0x2800  }
0x1c: {  	s15 =	simm.s32 $0x0;
	[sflag:s8] =	ssyncset.done $0x0  }
0x1d: {  	p0 =	por $0x0, $0x0;
	s16 =	simm.s32 $0x0;
	[sflag:s8] =	ssyncadd.s32 $0xFFFFD800  }
.LBB2_4:
0x1e: {  	s17 =	simm.s32 $0x1  }
0x1f: {  	s17 =	simm.s32 @!p0 $0x0  }
0x20: {  	s17 =	sshll.u32 s17, $0x6  }
0x21: {  	s17 =	sadd.s32 s17, s15  }
0x22: {  	s18 =	sor.u32 $0x80, s17  }
0x23: {  	v2 =	vld [tilespmem:s18+$0x0];
	_ =	sdelay $0x7  }
0x24: {  	s30 =	sor.u32 $0x90, s17;
	[tilespmem:v2+s9+$0x0] =	vst.idx.msk $0xffff, v1  }
0x25: {  	v2 =	vld [tilespmem:s30+$0x0];
	_ =	sdelay $0x7  }
0x26: {  	s31 =	sor.u32 $0xA0, s17;
	[tilespmem:v2+s9+$0x0] =	vst.idx.msk $0xffff, v1  }
0x27: {  	v2 =	vld [tilespmem:s31+$0x0];
	_ =	sdelay $0x7  }
0x28: {  	s17 =	sor.u32 $0xB0, s17;
	[tilespmem:v2+s9+$0x0] =	vst.idx.msk $0xffff, v1  }
0x29: {  	v2 =	vld [tilespmem:s17+$0x0];
	_ =	sdelay $0x2  }
0x2a: {  	p1 =	sne.s32 s16, $0x13C0  }
.Ltmp1:
0x2b: {  	_ = 	snop;
	(pc) =	sbr.rel @p1 .LBB2_4-.Ltmp1, $2  }
0x2c: {  	_ =	sdelay $0x2  }
0x2d: {  	s16 =	sadd.s32 $0x40, s16;
	p0 =	por !p0, !p0;
	s15 =	sadd.s32 $0x80, s15;
	[tilespmem:v2+s9+$0x0] =	vst.idx.msk $0xffff, v1  }
0x2e: {  	_ =	swait.ge [sflag:s10], $0x2700  }
0x2f: {  	[sflag:s10] =	ssyncset.done $0x0  }
0x30: {  	s15 =	simm.s32 $0x0;
	s16 =	simm.s32 $0x0;
	[sflag:s10] =	ssyncadd.s32 $0xFFFFD900  }
.LBB2_6:
0x31: {  	s17 =	sand.u32 $0x40, s15;
	s18 =	sand.u32 $0x3F00, s16  }
0x32: {  	s17 =	sor.u32 s17, s18  }
0x33: {  	v2 =	vld [tilespmem:s17+$0x2880];
	_ =	sdelay $0x5  }
0x34: {  	s25 =	sadd.s32 $0x1410, s15;
	s26 =	sadd.s32 $0x2820, s16  }
0x35: {  	s18 =	sand.u32 $0x7F00, s26;
	s17 =	sand.u32 $0x50, s25  }
0x36: {  	s17 =	sor.u32 s17, s18;
	[tilespmem:v2+s9+$0x0] =	vst.idx.msk $0xffff, v1  }
0x37: {  	v2 =	vld [tilespmem:s17+$0x80];
	_ =	sdelay $0x5  }
0x38: {  	s28 =	sadd.s32 $0x1420, s15;
	s29 =	sadd.s32 $0x2840, s16  }
0x39: {  	s18 =	sand.u32 $0x7F00, s29;
	s17 =	sand.u32 $0x60, s28  }
0x3a: {  	s17 =	sor.u32 s17, s18;
	[tilespmem:v2+s9+$0x0] =	vst.idx.msk $0xffff, v1  }
0x3b: {  	v2 =	vld [tilespmem:s17+$0x80];
	_ =	sdelay $0x5  }
0x3c: {  	s30 =	sadd.s32 $0x1430, s15;
	s31 =	sadd.s32 $0x2860, s16  }
0x3d: {  	s18 =	sand.u32 $0x7F00, s31;
	s17 =	sand.u32 $0x70, s30  }
0x3e: {  	s17 =	sor.u32 s17, s18;
	[tilespmem:v2+s9+$0x0] =	vst.idx.msk $0xffff, v1  }
0x3f: {  	v2 =	vld [tilespmem:s17+$0x80];
	_ =	sdelay $0x2  }
0x40: {  	p0 =	sne.s32 s16, $0x2680  }
.Ltmp2:
0x41: {  	_ = 	snop;
	(pc) =	sbr.rel @p0 .LBB2_6-.Ltmp2, $2  }
0x42: {  	_ =	sdelay $0x2  }
0x43: {  	s15 =	sadd.s32 $0x40, s15;
	s16 =	sadd.s32 $0x80, s16;
	[tilespmem:v2+s9+$0x0] =	vst.idx.msk $0xffff, v1  }
0x44: {  	s14 =	sadd.s32 $0x1, s14  }
0x45: {  	p0 =	sne.s32 s14, s6  }
.Ltmp3:
0x46: {  	_ = 	snop;
	(pc) =	sbr.rel @p0 .LBB2_1-.Ltmp3, $4  }
0x47: {  	[hbm4b:s5+s11] =	stream.strided.scatter [tilespmem:s9], [sflag:$0x3], $0x2780, s12, s11, $0x38;
	[tilespmem:$0x7680] =	vst v63  }
0x48: {  	_ =	swait.ge [sflag:s13], $0x2780  }
0x49: {  	[sflag:s13] =	ssyncset.done $0x0  }
0x4a: {  	[sflag:s13] =	ssyncadd.s32 $0xFFFFD880  }
0x4b: {  	_ =	sfence.sel $0x180000  }
0x4c: {  	[bflag:$0x0] =	sbarrier.arrive $0xFFFF  }
0x4d: {  	p0 =	sne.s32 s0, $0x0;
	_ =	strace $0x90000047  }
0x4e: {  	s0 =	sadd.s32 @!p0 $0x100000, s1;
	[bflag:$0x2] =	sbarrier.arrive $0xFFFF  }
0x4f: {  	[sflag:s0] =	ssyncadd.tile.s32 @!p0 $0x1;
	_ =	shalt  }
.Lfunc_end2:
_tile_overlayer_lowered:
.L_overlay_start_2:
0x50: {  	(tag) =	ssettag $0x2  }
0x51: {  	s0 =	rddreg [dreg:$0x0];
	s2 =	stileid.u32  }
0x52: {  	s1 =	rddreg [dreg:$0x1];
	p0 =	sne.s32 s2, $0x0  }
0x53: {  	s3 =	rddreg [dreg:$0x2];
	[bflag:$0x3] =	sbarrier.arrive $0xFFFF;
	s2 =	simm.s32 @!p0 $0x1C03  }
0x54: {  	[timem:s3], [sflag:s2] =	dma.local @!p0 [hbm:s0], s1  }
0x55: {  	s0 =	simm.s32 @!p0 $0x3  }
0x56: {  	_ =	swait.ge @!p0 [sflag:s0], s1  }
0x57: {  	s1 =	ssub.s32 @!p0 $0x0, s1;
	[sflag:s0] =	ssyncset.done @!p0 $0x0  }
0x58: {  	[sflag:s0] =	ssyncadd.s32 @!p0 s1  }
0x59: {  	[bflag:$0x3] =	sbarrier.arrive $0xFFFF  }
0x5a: {  	_ =	shalt  }

</sc_bundles>
